<compile_context>
chip_gen: v7x
topology: tpu7x:2x2x1
jax: 0.10.2.dev20260603
libtpu: 0.0.44.dev20260713+nightly
codegen_flags: <defaults>
</compile_context>

<pallas_src>
import functools

import jax
import jax.numpy as jnp
from jax import lax
from jax.experimental import pallas as pl
from jax.experimental.pallas import tpu as pltpu
from jax.experimental.pallas import tpu_sc as plsc

_TVS = 1024
_NW = 32
_NL = 16


def _logits_kern(x_ref, wt_ref, b_ref, out_ref):
    rs = jnp.sum(wt_ref[...] * x_ref[...], axis=1, keepdims=True)
    out_ref[...] = jnp.transpose(rs, (1, 0)) + b_ref[...]


def _sc_top1(logits_hbm, vals_out, idxs_out, buf, stage_v, stage_i, *, v, per):
    nchunk_total = v // _NL
    last_per = nchunk_total - (_NW - 1) * per
    c = lax.axis_index("c")
    s = lax.axis_index("s")
    wid = c * 16 + s
    off = wid * (per * _NL)

    @pl.when(wid < _NW - 1)
    def _copy_main():
        pltpu.sync_copy(logits_hbm.at[pl.ds(off, per * _NL)], buf)

    @pl.when(wid == _NW - 1)
    def _copy_last():
        pltpu.sync_copy(
            logits_hbm.at[pl.ds((_NW - 1) * per * _NL, last_per * _NL)],
            buf.at[pl.ds(0, last_per * _NL)],
        )

    my_n = jnp.where(wid == _NW - 1, last_per, per)
    lanes = lax.iota(jnp.int32, _NL)
    bv0 = jnp.full((_NL,), -jnp.inf, jnp.float32)
    bi0 = jnp.zeros((_NL,), jnp.int32)

    def body(j, carry):
        bv, bi = carry
        val = buf[pl.ds(j * _NL, _NL)]
        idx = off + j * _NL + lanes
        upd = val > bv
        return jnp.where(upd, val, bv), jnp.where(upd, idx, bi)

    bv, bi = lax.fori_loop(0, my_n, body, (bv0, bi0))
    stage_v[...] = bv
    stage_i[...] = bi
    pltpu.sync_copy(stage_v, vals_out.at[wid])
    pltpu.sync_copy(stage_i, idxs_out.at[wid])


def _merge_kern(vals_ref, idxs_ref, out_ref):
    vals = vals_ref[...]
    m = jnp.max(vals)
    out_ref[0] = jnp.min(
        jnp.where(vals == m, idxs_ref[...], jnp.iinfo(jnp.int32).max)
    )


def kernel(x, W, b):
    d, v = W.shape
    tvs = min(_TVS, v)
    nj = pl.cdiv(v, tvs)
    wt = W.T
    x0 = x[0:1]
    b2 = b.reshape(1, v)

    logits = pl.pallas_call(
        _logits_kern,
        grid=(nj,),
        in_specs=[
            pl.BlockSpec((1, d), lambda j: (0, 0)),
            pl.BlockSpec((tvs, d), lambda j: (j, 0)),
            pl.BlockSpec((1, tvs), lambda j: (0, j)),
        ],
        out_specs=pl.BlockSpec((1, tvs), lambda j: (0, j)),
        out_shape=jax.ShapeDtypeStruct((1, v), jnp.float32),
        compiler_params=pltpu.CompilerParams(
            dimension_semantics=("arbitrary",),
        ),
    )(x0, wt, b2)

    nchunk_total = v // _NL
    per = -(-nchunk_total // _NW)
    mesh = plsc.VectorSubcoreMesh(core_axis_name="c", subcore_axis_name="s")
    sc = functools.partial(
        pl.kernel,
        out_type=[
            jax.ShapeDtypeStruct((_NW, _NL), jnp.float32),
            jax.ShapeDtypeStruct((_NW, _NL), jnp.int32),
        ],
        mesh=mesh,
        scratch_types=[
            pltpu.VMEM((per * _NL,), jnp.float32),
            pltpu.VMEM((_NL,), jnp.float32),
            pltpu.VMEM((_NL,), jnp.int32),
        ],
    )(functools.partial(_sc_top1, v=v, per=per))
    vals, idxs = sc(logits.reshape(v))

    out = pl.pallas_call(
        _merge_kern,
        in_specs=[
            pl.BlockSpec(memory_space=pltpu.VMEM),
            pl.BlockSpec(memory_space=pltpu.VMEM),
        ],
        out_specs=pl.BlockSpec(memory_space=pltpu.SMEM),
        out_shape=jax.ShapeDtypeStruct((1,), jnp.int32),
    )(vals, idxs)
    return out

# --- scband reference (transcript-rebuilt; emitter-appended) ---
"""Pipeline reference for scband-top-predictor-55336358642092 (READ-ONLY COPY).

The authoritative reference and input builder live on the scoring server;
editing this copy changes nothing except your own understanding.
"""

import jax, jax.numpy as jnp
import numpy as np

B = 32
D = 2048
V = 100000

def setup_inputs(seed: int = 0) -> dict:
    key = jax.random.key(seed)
    kx, kw, kb = jax.random.split(key, 3)
    x = jax.random.normal(kx, (B, D), dtype=jnp.float32)
    W = jax.random.normal(kw, (D, V), dtype=jnp.float32) * (1.0 / np.sqrt(D))
    b = jax.random.normal(kb, (V,), dtype=jnp.float32) * 0.01
    return {"x": x, "W": W, "b": b}

def reference(x, W, b):
    # base_model: linear classifier head
    logits = jnp.dot(x, W) + b  # [B, V]
    # torch.topk(x[0], 1): top-1 over the first row's vocab dim
    vals, topk_id = jax.lax.top_k(logits[0], 1)
    return topk_id

if __name__ == "__main__":
    import jax
    _d = setup_inputs()
    print(jax.jit(kernel)(*tuple(_d.values())))

</pallas_src>

<mosaic_0001>
#map = affine_map<(d0, d1) -> (0)>
#map1 = affine_map<(d0, d1) -> (0, 0)>
module attributes {stable_mosaic.version = 14 : i64} {
  func.func @_sc_top1(%arg0: i32, %arg1: i32, %arg2: memref<100000xf32, #tpu.memory_space<hbm>>, %arg3: memref<32x16xf32, #tpu.memory_space<hbm>>, %arg4: memref<32x16xi32, #tpu.memory_space<hbm>>, %arg5: memref<3136xf32, #tpu.memory_space<vmem>>, %arg6: memref<16xf32, #tpu.memory_space<vmem>>, %arg7: memref<16xi32, #tpu.memory_space<vmem>>) attributes {dimension_semantics = [#tpu.dimension_semantics<core_parallel>, #tpu.dimension_semantics<subcore_parallel>], iteration_bounds = array<i64: 2, 16>, scalar_prefetch = 0 : i64, scratch_operands = 3 : i64, tpu.core_type = #tpu.core_type<sc_vector_subcore>, window_params = [{transform_indices = #map}, {transform_indices = #map1}, {transform_indices = #map1}]} {
    %mul3A = arith.constant 16 : i32
    %mul3A_0 = arith.muli %arg0, %mul3A : i32
    %add3A = arith.addi %mul3A_0, %arg1 : i32
    %mul3A_1 = arith.constant 3136 : i32
    %mul3A_2 = arith.muli %add3A, %mul3A_1 : i32
    %lt3A = arith.constant 31 : i32
    %lt3A_3 = arith.cmpi slt, %add3A, %lt3A : i32
    %convert_element_type3A = arith.extui %lt3A_3 : i1 to i32
    %cond3A = arith.constant 0 : i32
    %cond3A_4 = arith.cmpi ne, %convert_element_type3A, %cond3A : i32
    scf.if %cond3A_4 {
      "tpu.region"() ({
        %run_scoped3A = tpu.sem_alloc : memref<!tpu.dma_semaphore, #tpu.memory_space<semaphore_mem>>
        %dma_start3A = tpu.memref_slice %arg2[%mul3A_2] : memref<100000xf32, #tpu.memory_space<hbm>> -> memref<3136xf32, #tpu.memory_space<hbm>>
        %dma_start3A_32 = tpu.memref_slice %arg2[%mul3A_2] : memref<100000xf32, #tpu.memory_space<hbm>> -> memref<3136xf32, #tpu.memory_space<hbm>>
        tpu.enqueue_dma source(%dma_start3A_32 : memref<3136xf32, #tpu.memory_space<hbm>>) target(%arg5 : memref<3136xf32, #tpu.memory_space<vmem>>) target_semaphore(%run_scoped3A : memref<!tpu.dma_semaphore, #tpu.memory_space<semaphore_mem>>)
        %dma_wait3A = tpu.memref_slice %arg2[%mul3A_2] : memref<100000xf32, #tpu.memory_space<hbm>> -> memref<3136xf32, #tpu.memory_space<hbm>>
        %dma_wait3A_33 = tpu.memref_slice %arg2[%mul3A_2] : memref<100000xf32, #tpu.memory_space<hbm>> -> memref<3136xf32, #tpu.memory_space<hbm>>
        tpu.wait_dma2 semaphore(%run_scoped3A : memref<!tpu.dma_semaphore, #tpu.memory_space<semaphore_mem>>) src(%dma_wait3A_33 : memref<3136xf32, #tpu.memory_space<hbm>>) dst(%arg5 : memref<3136xf32, #tpu.memory_space<vmem>>)
        tpu.yield
      }) : () -> ()
    } else {
    }
    %eq3A = arith.constant 31 : i32
    %eq3A_5 = arith.cmpi eq, %add3A, %eq3A : i32
    %convert_element_type3A_6 = arith.extui %eq3A_5 : i1 to i32
    %cond3A_7 = arith.constant 0 : i32
    %cond3A_8 = arith.cmpi ne, %convert_element_type3A_6, %cond3A_7 : i32
    scf.if %cond3A_8 {
      "tpu.region"() ({
        %run_scoped3A = tpu.sem_alloc : memref<!tpu.dma_semaphore, #tpu.memory_space<semaphore_mem>>
        %dma_start3A = arith.constant 0 : i32
        %dma_start3A_32 = tpu.memref_slice %arg5[%dma_start3A] : memref<3136xf32, #tpu.memory_space<vmem>> -> memref<2784xf32, #tpu.memory_space<vmem>>
        %dma_start3A_33 = arith.constant 97216 : i32
        %dma_start3A_34 = tpu.memref_slice %arg2[%dma_start3A_33] : memref<100000xf32, #tpu.memory_space<hbm>> -> memref<2784xf32, #tpu.memory_space<hbm>>
        %dma_start3A_35 = arith.constant 0 : i32
        %dma_start3A_36 = tpu.memref_slice %arg5[%dma_start3A_35] : memref<3136xf32, #tpu.memory_space<vmem>> -> memref<2784xf32, #tpu.memory_space<vmem>>
        %dma_start3A_37 = arith.constant 97216 : i32
        %dma_start3A_38 = tpu.memref_slice %arg2[%dma_start3A_37] : memref<100000xf32, #tpu.memory_space<hbm>> -> memref<2784xf32, #tpu.memory_space<hbm>>
        tpu.enqueue_dma source(%dma_start3A_38 : memref<2784xf32, #tpu.memory_space<hbm>>) target(%dma_start3A_36 : memref<2784xf32, #tpu.memory_space<vmem>>) target_semaphore(%run_scoped3A : memref<!tpu.dma_semaphore, #tpu.memory_space<semaphore_mem>>)
        %dma_wait3A = arith.constant 0 : i32
        %dma_wait3A_39 = tpu.memref_slice %arg5[%dma_wait3A] : memref<3136xf32, #tpu.memory_space<vmem>> -> memref<2784xf32, #tpu.memory_space<vmem>>
        %dma_wait3A_40 = arith.constant 97216 : i32
        %dma_wait3A_41 = tpu.memref_slice %arg2[%dma_wait3A_40] : memref<100000xf32, #tpu.memory_space<hbm>> -> memref<2784xf32, #tpu.memory_space<hbm>>
        %dma_wait3A_42 = arith.constant 0 : i32
        %dma_wait3A_43 = tpu.memref_slice %arg5[%dma_wait3A_42] : memref<3136xf32, #tpu.memory_space<vmem>> -> memref<2784xf32, #tpu.memory_space<vmem>>
        %dma_wait3A_44 = arith.constant 97216 : i32
        %dma_wait3A_45 = tpu.memref_slice %arg2[%dma_wait3A_44] : memref<100000xf32, #tpu.memory_space<hbm>> -> memref<2784xf32, #tpu.memory_space<hbm>>
        tpu.wait_dma2 semaphore(%run_scoped3A : memref<!tpu.dma_semaphore, #tpu.memory_space<semaphore_mem>>) src(%dma_wait3A_45 : memref<2784xf32, #tpu.memory_space<hbm>>) dst(%dma_wait3A_43 : memref<2784xf32, #tpu.memory_space<vmem>>)
        tpu.yield
      }) : () -> ()
    } else {
    }
    %eq3A_9 = arith.constant 31 : i32
    %eq3A_10 = arith.cmpi eq, %add3A, %eq3A_9 : i32
    %jit3A = arith.constant 174 : i32
    %jit3A_11 = arith.constant 196 : i32
    %select_n3A = arith.select %eq3A_10, %jit3A, %jit3A_11 : i32
    %iota3A = tpu.iota {dimensions = array<i32: 0>} : vector<16xi32>
    %broadcast_in_dim3A = arith.constant 0xFF800000 : f32
    %broadcast_in_dim3A_12 = vector.broadcast %broadcast_in_dim3A : f32 to vector<16xf32>
    %broadcast_in_dim3A_13 = arith.constant 0 : i32
    %broadcast_in_dim3A_14 = vector.broadcast %broadcast_in_dim3A_13 : i32 to vector<16xi32>
    %while3A = arith.constant 0 : i32
    %while3A_15 = arith.subi %select_n3A, %while3A : i32
    %while3A_16 = arith.addi %while3A, %while3A_15 : i32
    %while3A_17 = arith.constant 1 : i32
    %while3A_18 = arith.divsi %while3A_15, %while3A_17 : i32
    %while3A_19 = arith.muli %while3A_18, %while3A_17 : i32
    %while3A_20 = arith.addi %while3A, %while3A_19 : i32
    %while3A_21 = arith.constant 1 : i32
    %while3A_22:2 = scf.for %while3A_32 = %while3A to %while3A_20 step %while3A_21 iter_args(%while3A_33 = %broadcast_in_dim3A_12, %while3A_34 = %broadcast_in_dim3A_14) -> (vector<16xf32>, vector<16xi32>)  : i32 {
      %mul3A_35 = arith.constant 16 : i32
      %mul3A_36 = arith.muli %while3A_32, %mul3A_35 : i32
      %get3A = arith.index_cast %mul3A_36 : i32 to index
      %get3A_37 = tpu.vector_load %arg5[%get3A] {strides = array<i32>} : memref<3136xf32, #tpu.memory_space<vmem>>, vector<16xf32>,
      %get3A_38 = vector.shape_cast %get3A_37 : vector<16xf32> to vector<16xf32>
      %mul3A_39 = arith.constant 16 : i32
      %mul3A_40 = arith.muli %while3A_32, %mul3A_39 : i32
      %add3A_41 = arith.addi %mul3A_2, %mul3A_40 : i32
      %add3A_42 = vector.broadcast %add3A_41 : i32 to vector<16xi32>
      %add3A_43 = arith.addi %add3A_42, %iota3A : vector<16xi32>
      %gt3A = arith.cmpf ogt, %get3A_38, %while3A_33 : vector<16xf32>
      %select_n3A_44 = arith.select %gt3A, %get3A_38, %while3A_33 : vector<16xi1>, vector<16xf32>
      %select_n3A_45 = arith.select %gt3A, %add3A_43, %while3A_34 : vector<16xi1>, vector<16xi32>
      scf.yield %select_n3A_44, %select_n3A_45 : vector<16xf32>, vector<16xi32>
    }
    %while3A_23 = arith.constant 1 : i32
    %while3A_24:2 = scf.for %while3A_32 = %while3A_20 to %while3A_16 step %while3A_23 iter_args(%while3A_33 = %while3A_22#0, %while3A_34 = %while3A_22#1) -> (vector<16xf32>, vector<16xi32>)  : i32 {
      %mul3A_35 = arith.constant 16 : i32
      %mul3A_36 = arith.muli %while3A_32, %mul3A_35 : i32
      %get3A = arith.index_cast %mul3A_36 : i32 to index
      %get3A_37 = tpu.vector_load %arg5[%get3A] {strides = array<i32>} : memref<3136xf32, #tpu.memory_space<vmem>>, vector<16xf32>,
      %get3A_38 = vector.shape_cast %get3A_37 : vector<16xf32> to vector<16xf32>
      %mul3A_39 = arith.constant 16 : i32
      %mul3A_40 = arith.muli %while3A_32, %mul3A_39 : i32
      %add3A_41 = arith.addi %mul3A_2, %mul3A_40 : i32
      %add3A_42 = vector.broadcast %add3A_41 : i32 to vector<16xi32>
      %add3A_43 = arith.addi %add3A_42, %iota3A : vector<16xi32>
      %gt3A = arith.cmpf ogt, %get3A_38, %while3A_33 : vector<16xf32>
      %select_n3A_44 = arith.select %gt3A, %get3A_38, %while3A_33 : vector<16xi1>, vector<16xf32>
      %select_n3A_45 = arith.select %gt3A, %add3A_43, %while3A_34 : vector<16xi1>, vector<16xi32>
      scf.yield %select_n3A_44, %select_n3A_45 : vector<16xf32>, vector<16xi32>
    }
    %swap3A = arith.constant 0 : index
    %swap3A_25 = tpu.vector_load %arg6[%swap3A] {strides = array<i32>} : memref<16xf32, #tpu.memory_space<vmem>>, vector<16xf32>,
    %swap3A_26 = vector.shape_cast %swap3A_25 : vector<16xf32> to vector<16xf32>
    %swap3A_27 = vector.shape_cast %while3A_24#0 : vector<16xf32> to vector<16xf32>
    tpu.vector_store %arg6[%swap3A], %swap3A_27 {strides = array<i32>} : memref<16xf32, #tpu.memory_space<vmem>>, vector<16xf32>,
    %swap3A_28 = arith.constant 0 : index
    %swap3A_29 = tpu.vector_load %arg7[%swap3A_28] {strides = array<i32>} : memref<16xi32, #tpu.memory_space<vmem>>, vector<16xi32>,
    %swap3A_30 = vector.shape_cast %swap3A_29 : vector<16xi32> to vector<16xi32>
    %swap3A_31 = vector.shape_cast %while3A_24#1 : vector<16xi32> to vector<16xi32>
    tpu.vector_store %arg7[%swap3A_28], %swap3A_31 {strides = array<i32>} : memref<16xi32, #tpu.memory_space<vmem>>, vector<16xi32>,
    "tpu.region"() ({
      %run_scoped3A = tpu.sem_alloc : memref<!tpu.dma_semaphore, #tpu.memory_space<semaphore_mem>>
      %dma_start3A = arith.constant 0 : i32
      %dma_start3A_32 = tpu.memref_slice %arg3[%add3A, %dma_start3A] : memref<32x16xf32, #tpu.memory_space<hbm>> -> memref<1x16xf32, #tpu.memory_space<hbm>>
      %dma_start3A_33 = tpu.memref_squeeze %dma_start3A_32 : memref<1x16xf32, #tpu.memory_space<hbm>> -> memref<16xf32, #tpu.memory_space<hbm>>
      %dma_start3A_34 = arith.constant 0 : i32
      %dma_start3A_35 = tpu.memref_slice %arg3[%add3A, %dma_start3A_34] : memref<32x16xf32, #tpu.memory_space<hbm>> -> memref<1x16xf32, #tpu.memory_space<hbm>>
      %dma_start3A_36 = tpu.memref_squeeze %dma_start3A_35 : memref<1x16xf32, #tpu.memory_space<hbm>> -> memref<16xf32, #tpu.memory_space<hbm>>
      tpu.enqueue_dma source(%arg6 : memref<16xf32, #tpu.memory_space<vmem>>) target(%dma_start3A_36 : memref<16xf32, #tpu.memory_space<hbm>>) target_semaphore(%run_scoped3A : memref<!tpu.dma_semaphore, #tpu.memory_space<semaphore_mem>>)
      %dma_wait3A = arith.constant 0 : i32
      %dma_wait3A_37 = tpu.memref_slice %arg3[%add3A, %dma_wait3A] : memref<32x16xf32, #tpu.memory_space<hbm>> -> memref<1x16xf32, #tpu.memory_space<hbm>>
      %dma_wait3A_38 = tpu.memref_squeeze %dma_wait3A_37 : memref<1x16xf32, #tpu.memory_space<hbm>> -> memref<16xf32, #tpu.memory_space<hbm>>
      %dma_wait3A_39 = arith.constant 0 : i32
      %dma_wait3A_40 = tpu.memref_slice %arg3[%add3A, %dma_wait3A_39] : memref<32x16xf32, #tpu.memory_space<hbm>> -> memref<1x16xf32, #tpu.memory_space<hbm>>
      %dma_wait3A_41 = tpu.memref_squeeze %dma_wait3A_40 : memref<1x16xf32, #tpu.memory_space<hbm>> -> memref<16xf32, #tpu.memory_space<hbm>>
      tpu.wait_dma2 semaphore(%run_scoped3A : memref<!tpu.dma_semaphore, #tpu.memory_space<semaphore_mem>>) src(%arg6 : memref<16xf32, #tpu.memory_space<vmem>>) dst(%dma_wait3A_41 : memref<16xf32, #tpu.memory_space<hbm>>)
      tpu.yield
    }) : () -> ()
    "tpu.region"() ({
      %run_scoped3A = tpu.sem_alloc : memref<!tpu.dma_semaphore, #tpu.memory_space<semaphore_mem>>
      %dma_start3A = arith.constant 0 : i32
      %dma_start3A_32 = tpu.memref_slice %arg4[%add3A, %dma_start3A] : memref<32x16xi32, #tpu.memory_space<hbm>> -> memref<1x16xi32, #tpu.memory_space<hbm>>
      %dma_start3A_33 = tpu.memref_squeeze %dma_start3A_32 : memref<1x16xi32, #tpu.memory_space<hbm>> -> memref<16xi32, #tpu.memory_space<hbm>>
      %dma_start3A_34 = arith.constant 0 : i32
      %dma_start3A_35 = tpu.memref_slice %arg4[%add3A, %dma_start3A_34] : memref<32x16xi32, #tpu.memory_space<hbm>> -> memref<1x16xi32, #tpu.memory_space<hbm>>
      %dma_start3A_36 = tpu.memref_squeeze %dma_start3A_35 : memref<1x16xi32, #tpu.memory_space<hbm>> -> memref<16xi32, #tpu.memory_space<hbm>>
      tpu.enqueue_dma source(%arg7 : memref<16xi32, #tpu.memory_space<vmem>>) target(%dma_start3A_36 : memref<16xi32, #tpu.memory_space<hbm>>) target_semaphore(%run_scoped3A : memref<!tpu.dma_semaphore, #tpu.memory_space<semaphore_mem>>)
      %dma_wait3A = arith.constant 0 : i32
      %dma_wait3A_37 = tpu.memref_slice %arg4[%add3A, %dma_wait3A] : memref<32x16xi32, #tpu.memory_space<hbm>> -> memref<1x16xi32, #tpu.memory_space<hbm>>
      %dma_wait3A_38 = tpu.memref_squeeze %dma_wait3A_37 : memref<1x16xi32, #tpu.memory_space<hbm>> -> memref<16xi32, #tpu.memory_space<hbm>>
      %dma_wait3A_39 = arith.constant 0 : i32
      %dma_wait3A_40 = tpu.memref_slice %arg4[%add3A, %dma_wait3A_39] : memref<32x16xi32, #tpu.memory_space<hbm>> -> memref<1x16xi32, #tpu.memory_space<hbm>>
      %dma_wait3A_41 = tpu.memref_squeeze %dma_wait3A_40 : memref<1x16xi32, #tpu.memory_space<hbm>> -> memref<16xi32, #tpu.memory_space<hbm>>
      tpu.wait_dma2 semaphore(%run_scoped3A : memref<!tpu.dma_semaphore, #tpu.memory_space<semaphore_mem>>) src(%arg7 : memref<16xi32, #tpu.memory_space<vmem>>) dst(%dma_wait3A_41 : memref<16xi32, #tpu.memory_space<hbm>>)
      tpu.yield
    }) : () -> ()
    return
  }
}

module attributes {stable_mosaic.version = 14 : i64} {
  func.func @_logits_kern(%arg0: i32, %arg1: memref<1x2048xf32, #tpu.memory_space<vmem>>, %arg2: memref<1024x2048xf32, #tpu.memory_space<vmem>>, %arg3: memref<1x1024xf32, #tpu.memory_space<vmem>>, %arg4: memref<1x1024xf32, #tpu.memory_space<vmem>>) attributes {dimension_semantics = [#tpu.dimension_semantics<arbitrary>], iteration_bounds = array<i64: 98>, scalar_prefetch = 0 : i64, scratch_operands = 0 : i64, tpu.core_type = #tpu.core_type<tc>, window_params = [{pipeline_mode = #tpu.pipeline_mode<synchronous>, transform_indices = @transform_0, window_bounds = array<i64: 1, 2048>}, {transform_indices = @transform_1, window_bounds = array<i64: 1024, 2048>}, {transform_indices = @transform_2, window_bounds = array<i64: 1, 1024>}, {transform_indices = @transform_3, window_bounds = array<i64: 1, 1024>}]} {
    %get3A = arith.constant 0 : index
    %get3A_0 = arith.constant 0 : index
    %get3A_1 = vector.load %arg2[%get3A, %get3A_0] : memref<1024x2048xf32, #tpu.memory_space<vmem>>, vector<1024x2048xf32>
    %get3A_2 = arith.constant 0 : index
    %get3A_3 = arith.constant 0 : index
    %get3A_4 = vector.load %arg1[%get3A_2, %get3A_3] : memref<1x2048xf32, #tpu.memory_space<vmem>>, vector<1x2048xf32>
    %mul3A = vector.broadcast %get3A_4 : vector<1x2048xf32> to vector<1024x2048xf32>
    %mul3A_5 = arith.mulf %get3A_1, %mul3A : vector<1024x2048xf32>
    %reduce_sum3A = arith.constant dense<0.000000e+00> : vector<1024xf32>
    %reduce_sum3A_6 = vector.multi_reduction <add>, %mul3A_5, %reduce_sum3A [1] : vector<1024x2048xf32> to vector<1024xf32>
    %broadcast_in_dim3A = vector.shape_cast %reduce_sum3A_6 : vector<1024xf32> to vector<1024x1xf32>
    %transpose3A = tpu.transpose %broadcast_in_dim3A, [1, 0] : vector<1024x1xf32> -> vector<1x1024xf32>
    %get3A_7 = arith.constant 0 : index
    %get3A_8 = arith.constant 0 : index
    %get3A_9 = vector.load %arg3[%get3A_7, %get3A_8] : memref<1x1024xf32, #tpu.memory_space<vmem>>, vector<1x1024xf32>
    %add3A = arith.addf %transpose3A, %get3A_9 : vector<1x1024xf32>
    %swap3A = arith.constant 0 : index
    %swap3A_10 = arith.constant 0 : index
    %swap3A_11 = vector.load %arg4[%swap3A, %swap3A_10] : memref<1x1024xf32, #tpu.memory_space<vmem>>, vector<1x1024xf32>
    tpu.vector_store %arg4[%swap3A, %swap3A_10], %add3A {strides = array<i32>} : memref<1x1024xf32, #tpu.memory_space<vmem>>, vector<1x1024xf32>,
    return
  }
  func.func @transform_0(%arg0: i32) -> (i32, i32) {
    %c0_i32 = arith.constant 0 : i32
    %c0_i32_0 = arith.constant 0 : i32
    %c0_i32_1 = arith.constant 0 : i32
    return %c0_i32, %c0_i32_0 : i32, i32
  }
  func.func @transform_1(%arg0: i32) -> (i32, i32) {
    %c0_i32 = arith.constant 0 : i32
    %c0_i32_0 = arith.constant 0 : i32
    return %arg0, %c0_i32 : i32, i32
  }
  func.func @transform_2(%arg0: i32) -> (i32, i32) {
    %c0_i32 = arith.constant 0 : i32
    %c0_i32_0 = arith.constant 0 : i32
    return %c0_i32, %arg0 : i32, i32
  }
  func.func @transform_3(%arg0: i32) -> (i32, i32) {
    %c0_i32 = arith.constant 0 : i32
    %c0_i32_0 = arith.constant 0 : i32
    return %c0_i32, %arg0 : i32, i32
  }
}

module attributes {stable_mosaic.version = 14 : i64} {
  func.func @_merge_kern(%arg0: memref<32x16xf32, #tpu.memory_space<vmem>>, %arg1: memref<32x16xi32, #tpu.memory_space<vmem>>, %arg2: memref<1xi32, #tpu.memory_space<smem>>) attributes {dimension_semantics = [], scalar_prefetch = 0 : i64, scratch_operands = 0 : i64, tpu.core_type = #tpu.core_type<tc>} {
    %get3A = arith.constant 0 : index
    %get3A_0 = arith.constant 0 : index
    %get3A_1 = vector.load %arg0[%get3A, %get3A_0] : memref<32x16xf32, #tpu.memory_space<vmem>>, vector<32x16xf32>
    %reduce_max3A = vector.shape_cast %get3A_1 : vector<32x16xf32> to vector<1x32x16xf32>
    %reduce_max3A_2 = arith.constant dense<0xFF800000> : vector<1xf32>
    %reduce_max3A_3 = vector.multi_reduction <maximumf>, %reduce_max3A, %reduce_max3A_2 [1, 2] : vector<1x32x16xf32> to vector<1xf32>
    %reduce_max3A_4 = vector.shape_cast %reduce_max3A_3 : vector<1xf32> to vector<1x1x1xf32>
    %reduce_max3A_5 = vector.extract %reduce_max3A_4[0, 0, 0] : f32 from vector<1x1x1xf32>
    %eq3A = vector.broadcast %reduce_max3A_5 : f32 to vector<32x16xf32>
    %eq3A_6 = arith.cmpf oeq, %get3A_1, %eq3A : vector<32x16xf32>
    %get3A_7 = arith.constant 0 : index
    %get3A_8 = arith.constant 0 : index
    %get3A_9 = vector.load %arg1[%get3A_7, %get3A_8] : memref<32x16xi32, #tpu.memory_space<vmem>>, vector<32x16xi32>
    %jit3A = arith.constant 2147483647 : i32
    %broadcast_in_dim3A = vector.broadcast %jit3A : i32 to vector<32x16xi32>
    %select_n3A = arith.select %eq3A_6, %get3A_9, %broadcast_in_dim3A : vector<32x16xi1>, vector<32x16xi32>
    %reduce_min3A = vector.shape_cast %select_n3A : vector<32x16xi32> to vector<1x32x16xi32>
    %reduce_min3A_10 = arith.constant dense<2147483647> : vector<1xi32>
    %reduce_min3A_11 = vector.multi_reduction <minsi>, %reduce_min3A, %reduce_min3A_10 [1, 2] : vector<1x32x16xi32> to vector<1xi32>
    %reduce_min3A_12 = vector.shape_cast %reduce_min3A_11 : vector<1xi32> to vector<1x1x1xi32>
    %reduce_min3A_13 = vector.extract %reduce_min3A_12[0, 0, 0] : i32 from vector<1x1x1xi32>
    %swap3A = arith.constant 0 : index
    %swap3A_14 = memref.load %arg2[%swap3A] : memref<1xi32, #tpu.memory_space<smem>>
    memref.store %reduce_min3A_13, %arg2[%swap3A] : memref<1xi32, #tpu.memory_space<smem>>
    return
  }
}

</mosaic_0001>

<sc_bundles>
// kernel: kernel.5.cloned.1.call-start
scs
__scs_entry_jumppad:
0x0: {  	(pc) =	sbr.rel $0x88, $3  }
0x1: {  	(tag) =	ssettag $0x0;
	lr =	simm.s32 $0x1  }
0x2: {  	[smem:$0x3F9E] =	sst lr;
	_ =	strace $0xD0000000  }
0x3: {  	_ = 	snop  }
0x4: {  	_ = 	snop  }
0x5: {  	_ = 	snop  }
0x6: {  	_ = 	snop  }
0x7: {  	_ = 	snop  }
__scs_overlays_trampoline_lowered:
0x8: {  	[smem:$0x3FAD] =	sst s0  }
0x9: {  	[smem:$0x3FAE] =	sst s1  }
0xa: {  	[smem:$0x3FAF] =	sst s2  }
0xb: {  	[smem:$0x3FB0] =	sst s3  }
0xc: {  	[smem:$0x3FB1] =	sst s4  }
0xd: {  	[smem:$0x3FB2] =	sst s5  }
0xe: {  	[smem:$0x3FB3] =	sst s6  }
0xf: {  	[smem:$0x3FB4] =	sst s7  }
0x10: {  	[smem:$0x3FB5] =	sst s8  }
0x11: {  	[smem:$0x3FB6] =	sst s9;
	s0 =	simm.s32 @!p0 $0x0  }
0x12: {  	s1 =	sld [smem:$0x3F9C];
	s0 =	simm.s32 @p0 $0x1  }
0x13: {  	[smem:$0x3FB7] =	sst s0;
	s0 =	simm.s32 @!p1 $0x0  }
0x14: {  	s2 =	sld [smem:$0x3F9B];
	s0 =	simm.s32 @p1 $0x1  }
0x15: {  	[smem:$0x3FB8] =	sst s0;
	s0 =	simm.s32 @!p2 $0x0  }
0x16: {  	s3 =	sld [smem:$0x3FDB];
	s0 =	simm.s32 @p2 $0x1  }
0x17: {  	s4 =	simm.s32 $0x1BF5;
	[smem:$0x3FBA] =	sst s0  }
0x18: {  	s0 =	sld [smem:$0x3F9D];
	_ =	swait.ge [sflag:s4], $0x0  }
0x19: {  	s7 =	sld [smem:$0x3F9E]  }
0x1a: {  	s8 =	sadd.s32 $0xFFFFE003, lr  }
0x1b: {  	s9 =	sadd.s32 $0xFFFFFEF7, lr;
	s5 =	simm.s32 $0xFFFFFFFF;
	p2 =	slt.u32 s8, $0xFFFFF086  }
0x1c: {  	p1 =	slt.u32 s9, $0xF7A;
	s5 =	simm.s32 @!p2 $0x0  }
0x1d: {  	s5 =	simm.s32 @p1 $0x1;
	p0 =	seq.s32 s7, s2  }
0x1e: {  	s7 =	smul.u32 @!p0 $0xF7A, s2;
	p2 =	seq.s32 @!p0 s5, $0x0  }
0x1f: {  	s9 =	smul.u32 $0xF7A, s1;
	s8 =	simm.s32 @!p0 $0x1BF5;
	p2 =	por !p2, p0  }
0x20: {  	[sflag:s8] =	ssyncset.s32 @!p0 $0xFFFFF086;
	s6 =	sadd.s32 @!p0 s3, s7;
	s7 =	simm.s32 @!p0 $0x108  }
0x21: {  	s3 =	sadd.s32 s3, s9;
	s6 =	sadd.s32 @!p0 $0x88, s6;
	s7 =	simm.s32 @p2 $0x1082  }
0x22: {  	[simem:s7], [sflag:s8] =	dma.local @!p0 [hbm:s6], $0xF7A  }
0x23: {  	s9 =	sor.u32 $0xD0000000, s2;
	s6 =	simm.s32 $0x108;
	_ =	swait.ge @!p0 [sflag:s8], $0x0  }
0x24: {  	s3 =	sadd.s32 $0x88, s3;
	s6 =	simm.s32 @!p1 $0x1082;
	[sflag:s4] =	ssyncset.s32 $0xFFFFF086  }
0x25: {  	[simem:s6], [sflag:s4] =	dma.local [hbm:s3], $0xF7A  }
0x26: {  	[smem:$0x3F9E] =	sst s1;
	(tag) =	ssettag s2;
	_ =	strace s9  }
0x27: {  	s1 =	sld [smem:$0x3FAE]  }
0x28: {  	s2 =	sld [smem:$0x3FAF]  }
0x29: {  	s4 =	sld [smem:$0x3FB1]  }
0x2a: {  	p0 =	seq.s32 s5, $0x0;
	s5 =	sld [smem:$0x3FB2]  }
0x2b: {  	s6 =	sld [smem:$0x3FB3]  }
0x2c: {  	s7 =	sld [smem:$0x3FB4]  }
0x2d: {  	s3 =	simm.s32 $0x108;
	s8 =	sld [smem:$0x3FB5]  }
0x2e: {  	s3 =	simm.s32 @!p0 $0x1082;
	s9 =	sld [smem:$0x3FB6]  }
0x2f: {  	lr =	sadd.s32 s0, s3;
	s0 =	sld [smem:$0x3FAD]  }
0x30: {  	s3 =	sld [smem:$0x3FB0]  }
0x31: {  	[smem:$0x3FB9] =	sst s10  }
0x32: {  	s10 =	sld [smem:$0x3FB7];
	_ =	sdelay $0x3  }
0x33: {  	p0 =	seq.s32 s10, $0x1;
	s10 =	sld [smem:$0x3FB9];
	_ =	sdelay $0x3  }
0x34: {  	[smem:$0x3FB9] =	sst s10  }
0x35: {  	s10 =	sld [smem:$0x3FB8];
	_ =	sdelay $0x3  }
0x36: {  	p1 =	seq.s32 s10, $0x1;
	s10 =	sld [smem:$0x3FB9];
	_ =	sdelay $0x3  }
0x37: {  	[smem:$0x3FB9] =	sst s10  }
0x38: {  	s10 =	sld [smem:$0x3FBA]  }
0x39: {  	_ = 	snop;
	(pc) =	sbr.ind lr, $3  }
0x3a: {  	_ = 	snop  }
0x3b: {  	_ = 	snop  }
0x3c: {  	p2 =	seq.s32 s10, $0x1;
	s10 =	sld [smem:$0x3FB9]  }
0x3d: {  	_ =	shalt  }
0x3e: {  	_ =	shalt  }
0x3f: {  	_ =	shalt  }
0x40: {  	_ =	shalt  }
0x41: {  	_ =	shalt  }
0x42: {  	_ =	shalt  }
0x43: {  	_ =	shalt  }
0x44: {  	_ =	shalt  }
0x45: {  	_ =	shalt  }
0x46: {  	_ =	shalt  }
0x47: {  	_ =	shalt  }
0x48: {  	_ =	shalt  }
0x49: {  	_ =	shalt  }
0x4a: {  	_ =	shalt  }
0x4b: {  	_ =	shalt  }
0x4c: {  	_ =	shalt  }
0x4d: {  	_ =	shalt  }
0x4e: {  	_ =	shalt  }
0x4f: {  	_ =	shalt  }
0x50: {  	_ =	shalt  }
0x51: {  	_ =	shalt  }
0x52: {  	_ =	shalt  }
0x53: {  	_ =	shalt  }
0x54: {  	_ =	shalt  }
0x55: {  	_ =	shalt  }
0x56: {  	_ =	shalt  }
0x57: {  	_ =	shalt  }
0x58: {  	_ =	shalt  }
0x59: {  	_ =	shalt  }
0x5a: {  	_ =	shalt  }
0x5b: {  	_ =	shalt  }
0x5c: {  	_ =	shalt  }
0x5d: {  	_ =	shalt  }
0x5e: {  	_ =	shalt  }
0x5f: {  	_ =	shalt  }
0x60: {  	_ =	shalt  }
0x61: {  	_ =	shalt  }
0x62: {  	_ =	shalt  }
0x63: {  	_ =	shalt  }
0x64: {  	_ =	shalt  }
0x65: {  	_ =	shalt  }
0x66: {  	_ =	shalt  }
0x67: {  	_ =	shalt  }
0x68: {  	_ =	shalt  }
0x69: {  	_ =	shalt  }
0x6a: {  	_ =	shalt  }
0x6b: {  	_ =	shalt  }
0x6c: {  	_ =	shalt  }
0x6d: {  	_ =	shalt  }
0x6e: {  	_ =	shalt  }
0x6f: {  	_ =	shalt  }
0x70: {  	_ =	shalt  }
0x71: {  	_ =	shalt  }
0x72: {  	_ =	shalt  }
0x73: {  	_ =	shalt  }
0x74: {  	_ =	shalt  }
0x75: {  	_ =	shalt  }
0x76: {  	_ =	shalt  }
0x77: {  	_ =	shalt  }
0x78: {  	_ =	shalt  }
0x79: {  	_ =	shalt  }
0x7a: {  	_ =	shalt  }
0x7b: {  	_ =	shalt  }
0x7c: {  	_ =	shalt  }
0x7d: {  	_ =	shalt  }
0x7e: {  	_ =	shalt  }
0x7f: {  	_ =	shalt  }
0x80: {  	_ =	shalt  }
0x81: {  	_ =	shalt  }
0x82: {  	_ =	shalt  }
0x83: {  	_ =	shalt  }
0x84: {  	_ =	shalt  }
0x85: {  	_ =	shalt  }
0x86: {  	_ =	shalt  }
0x87: {  	_ =	shalt  }
.Lfunc_end0:
.L_simem_size_0:
called_computation_lowered:
.L_overlay_start_0:
0x88: {  	s2 =	sld [smem:$0x3FD9]  }
0x89: {  	s3 =	sld [smem:$0x3FFE];
	_ =	sdelay $0x1  }
0x8a: {  	s1 =	srdreg.scid  }
0x8b: {  	s0 =	sand.u32 $0x1, s1  }
0x8c: {  	s16 =	sshll.u32 s0, $0xA;
	s2 =	sadd.s32 s3, s2  }
0x8d: {  	s2 =	sadd.s32 s2, s16  }
0x8e: {  	[smem:$0x3FC5] =	sst s2  }
0x8f: {  	_ = 	snop  }
0x90: {  	(tm) =	ssettm $0x1  }
0x91: {  	s17 =	sld [smem:$0x3FFB];
	_ =	sdelay $0x3  }
0x92: {  	_ =	strace s17  }
0x93: {  	s2 =	sld [smem:$0x3FFC];
	_ =	sdelay $0x3  }
0x94: {  	_ =	strace s2  }
0x95: {  	s2 =	sld [smem:$0x3FFD];
	_ =	sdelay $0x3  }
0x96: {  	_ =	strace s2  }
0x97: {  	_ =	strace $0x8FFFFFFF  }
0x98: {  	s18 =	sld [smem:$0x3FDB];
	_ =	sdelay $0x1  }
0x99: {  	s19 =	simm.s32 $_scs_section_size  }
0x9a: {  	s4 =	simm.s32 $_size__tile_overlayer_lowered;
	s5 =	simm.s32 $_tile_overlayer_lowered  }
0x9b: {  	s22 =	simm.s32 $0x1BFF;
	s21 =	sshll.u32 s5, $0x1;
	s2 =	sadd.s32 s19, s18  }
0x9c: {  	s6 =	simm.s32 $0x0;
	s20 =	sshll.u32 s4, $0x1;
	s4 =	sadd.s32 s21, s2  }
0x9d: {  	[timem:s6], [sflag:s22] =	dma.local [hbm:s4], s20  }
0x9e: {  	_ =	swait.ge [sflag:s22], s20  }
0x9f: {  	s3 =	ssub.s32 $0x0, s20;
	[sflag:s22] =	ssyncset.done $0x0  }
0xa0: {  	[sflag:s22] =	ssyncadd.s32 s3;
	_ =	sdelay $0x1  }
0xa1: {  	s23 =	simm.s32 $0x1B8B  }
0xa2: {  	_ =	swait.ge [sflag:s23], $0x1  }
0xa3: {  	[sflag:s23] =	ssyncset.done $0x0  }
0xa4: {  	s25 =	simm.s32 $0x1B8E;
	s24 =	sld [smem:$0x3FFE];
	[sflag:s23] =	ssyncadd.s32 $0xFFFFFFFF  }
0xa5: {  	s26 =	simm.s32 $execute0_lowered;
	[smem:$0x3FD2] =	sst s25  }
0xa6: {  	s4 =	sshll.u32 s26, $0x1;
	_ =	strace $0x80000046;
	[dreg:$0x1] =	wrdreg $0xFFFFFFFF  }
0xa7: {  	s28 =	simm.s32 $_size_execute0_lowered;
	s2 =	sadd.s32 s2, s4;
	[dreg:$0x0] =	wrdreg $0x0  }
0xa8: {  	s4 =	sshll.u32 s28, $0x1;
	[dreg:$0x2] =	wrdreg s2  }
0xa9: {  	[dreg:$0x3] =	wrdreg s4  }
0xaa: {  	[dreg:$0x4] =	wrdreg $0xC0  }
0xab: {  	_ =	task [dreg:s6], $0x5FFFF  }
0xac: {  	[dreg:$0x1] =	wrdreg $0xFFFFFFFF  }
0xad: {  	[dreg:$0x0] =	wrdreg $0x60  }
0xae: {  	[dreg:$0x2] =	wrdreg s24  }
0xaf: {  	[dreg:$0x3] =	wrdreg $0x9  }
0xb0: {  	_ =	task.clear_ibuf [dreg:s6], $0x4FFFF;
	_ =	strace $0x90000046  }
0xb1: {  	s29 =	simm.s32 $0x9;
	_ =	strace $0x80000048  }
0xb2: {  	_ =	swait.ge [sflag:s29], $0x1  }
0xb3: {  	[sflag:s29] =	ssyncadd.s32 $0xFFFFFFFF  }
0xb4: {  	_ =	strace $0x90000048  }
0xb5: {  	_ =	sfence  }
0xb6: {  	s30 =	sld [smem:$0x0];
	_ =	sdelay $0x2  }
0xb7: {  	s31 =	sshll.u32 s1, $0xD;
	s1 =	sshrl.u32 s1, $0x2  }
0xb8: {  	s3 =	sand.u32 $0x4000, s31;
	s1 =	sadd.s32 s1, s30  }
0xb9: {  	s0 =	sor.u32 s3, s0;
	s1 =	sshll.u32 s1, $0x11  }
0xba: {  	s0 =	sor.u32 s1, s0  }
0xbb: {  	s0 =	sadd.s32 $0x8F2B, s0  }
0xbc: {  	[sflag:s0] =	ssyncadd.remote.s32 $0x1  }
0xbd: {  	_ =	sfence.sel $0xFFFF  }
0xbe: {  	[dreg:$0x0] =	wrdreg $0xFFFFFFFF;
	(pc) =	sbr.abs _section_cstart, $3  }
0xbf: {  	[dreg:$0x1] =	wrdreg $0xFFFFFFFF  }
0xc0: {  	_ =	task.clear_ibuf [dreg:s6], $0x2FFFF;
	_ =	strace $0x9FFFFFFF  }
0xc1: {  	(tm) =	ssettm $0x7FFFFFFF  }
tec
execute0_lowered:
.L_overlay_start_1:
0x0: {  	(tag) =	ssettag $0x1  }
0x1: {  	s0 =	srdreg.scid;
	s4 =	rddreg [dreg:$0x0]  }
0x2: {  	s1 =	stileid.u32;
	s2 =	simm.s32 $0x0;
	s11 =	simm.s32 $0xD00  }
0x3: {  	s12 =	simm.s32 $0x0;
	s3 =	sand.u32 $0x1, s0;
	s0 =	rddreg [dreg:$0x1]  }
0x4: {  	[smem:$0x7FF] =	sst s2;
	s7 =	sshll.u32 s1, $0x4;
	s10 =	smul.u32 $0xC40, s1  }
0x5: {  	s5 =	sshll.u32 s3, $0x4;
	_ =	strace $0x80000047;
	s7 =	sand.u32 $0x70, s7  }
0x6: {  	s8 =	ssub.s32 $0x2, s3;
	s31 =	smul.u32 $0xC400, s3;
	s9 =	sor.u32 s1, s5  }
0x7: {  	s30 =	sshrl.u32 s8, $0x1;
	s5 =	smul.u32 $0xC40, s9;
	s6 =	sshll.u32 s9, $0x4  }
0x8: {  	p0 =	seq.s32 s9, $0x1F;
	s9 =	simm.s32 $0xC80;
	s6 =	sand.u32 $0x180, s6  }
0x9: {  	s5 =	sshrl.u32 s5, $0x3;
	s6 =	sor.u32 s7, s6;
	s7 =	ssub.s32 s8, s30  }
0xa: {  	s8 =	sadd.s32 s10, s31;
	s10 =	simm.s32 $0x1;
	s5 =	sadd.s32 s5, s4  }
0xb: {  	s6 =	sadd.s32 s6, s4;
	s4 =	sadd.s32 $0x3778, s4;
	s7 =	smax.u32 s7, $0x1  }
0xc: {  	v0 =	vlaneseq.u32;
	s3 =	sadd.s32 $0x800, s5;
	s5 =	sadd.s32 $0x3A00, s6;
	s6 =	sadd.s32 $0x3C00, s6  }
.LBB2_1:
0xd: {  	s13 =	simm.s32 @p0 $0x0  }
0xe: {  	[tilespmem:s13], [sflag:$0x1] =	stream.linear.gather @p0 [hbm4b:s4+s13], $0xAE0, $0x38;
	[tilespmem:$0xD80] =	vst v63  }
0xf: {  	s13 =	simm.s32 @p0 $0x1  }
0x10: {  	_ =	swait.ge @p0 [sflag:s13], $0xAE0  }
0x11: {  	[sflag:s13] =	ssyncset.done @p0 $0x0  }
0x12: {  	[sflag:s13] =	ssyncadd.s32 @p0 $0xFFFFF520;
	s13 =	simm.s32 @!p0 $0x0  }
0x13: {  	[tilespmem:s13], [sflag:$0x1] =	stream.linear.gather @!p0 [hbm4b:s3+s13], $0xC40, $0x38;
	[tilespmem:$0xD80] =	vst v63  }
0x14: {  	s13 =	simm.s32 @!p0 $0x1  }
0x15: {  	_ =	swait.ge @!p0 [sflag:s13], $0xC40  }
0x16: {  	[sflag:s13] =	ssyncset.done @!p0 $0x0  }
0x17: {  	[sflag:s13] =	ssyncadd.s32 @!p0 $0xFFFFF3C0;
	s13 =	simm.s32 @!p0 $0xC4  }
0x18: {  	s13 =	simm.s32 @p0 $0xAE  }
0x19: {  	v1 =	vld [tilespmem:s2+$0x0];
	p1 =	sne.s32 s13, $0x1  }
.Ltmp0:
0x1a: {  	_ = 	snop;
	(pc) =	sbr.rel @!p1 .LBB2_3-.Ltmp0, $3  }
0x1b: {  	_ =	sdelay $0x1  }
0x1c: {  	v2 =	vimm.f32 $-Inf  }
0x1d: {  	v3 =	vimm.s32 $0x0;
	v4 =	vor.u32 s8, v0;
	s14 =	simm.s32 $0x10;
	s15 =	smov.u32 s8;
	s13 =	sadd.s32 $0xFFFFFFFF, s13;
	vm0 =	vgt.f32 v1, v2  }
.LBB2_2:
0x1e: {  	p1 =	sne.s32 s13, $0x1;
	s13 =	sadd.s32 $0xFFFFFFFF, s13;
	v2 =	vsel vm0, v1, v2;
	v1 =	vld [tilespmem:s14+$0x0];
	v3 =	vsel vm0, v4, v3  }
.Ltmp1:
0x1f: {  	(pc) =	sbr.rel @p1 .LBB2_2-.Ltmp1, $3  }
0x20: {  	_ =	sdelay $0x1  }
0x21: {  	s15 =	sadd.s32 $0x10, s15  }
0x22: {  	s14 =	sadd.s32 $0x10, s14;
	v4 =	vor.u32 s15, v0;
	vm0 =	vgt.f32 v1, v2  }
.LBB2_3:
0x23: {  	v1 =	vsel vm0, v1, v2  }
0x24: {  	v2 =	vsel vm0, v4, v3;
	[tilespmem:$0xC80] =	vst v1  }
0x25: {  	[tilespmem:$0xD00] =	vst v2  }
0x26: {  	[hbm4b:s5+s2] =	stream.linear.scatter [tilespmem:s9], [sflag:$0x1], $0x80, $0x38;
	[tilespmem:$0xD80] =	vst v63  }
0x27: {  	s12 =	sadd.s32 $0x1, s12;
	_ =	swait.ge [sflag:s10], $0x80  }
0x28: {  	p1 =	sne.s32 s12, s7;
	[sflag:s10] =	ssyncset.done $0x0  }
.Ltmp2:
0x29: {  	[sflag:s10] =	ssyncadd.s32 $0xFFFFFF80;
	(pc) =	sbr.rel @p1 .LBB2_1-.Ltmp2, $4  }
0x2a: {  	[hbm4b:s6+s2] =	stream.linear.scatter [tilespmem:s11], [sflag:$0x1], $0x80, $0x38;
	[tilespmem:$0xD80] =	vst v63  }
0x2b: {  	_ =	swait.ge [sflag:s10], $0x80  }
0x2c: {  	[sflag:s10] =	ssyncset.done $0x0  }
0x2d: {  	[sflag:s10] =	ssyncadd.s32 $0xFFFFFF80  }
0x2e: {  	_ =	sfence.sel $0x180000  }
0x2f: {  	[bflag:$0x0] =	sbarrier.arrive $0xFFFF  }
0x30: {  	p0 =	sne.s32 s1, $0x0;
	_ =	strace $0x90000047  }
0x31: {  	s0 =	sadd.s32 @!p0 $0x100000, s0;
	[bflag:$0x2] =	sbarrier.arrive $0xFFFF  }
0x32: {  	[sflag:s0] =	ssyncadd.tile.s32 @!p0 $0x1;
	_ =	shalt  }
.Lfunc_end2:
_tile_overlayer_lowered:
.L_overlay_start_2:
0x33: {  	(tag) =	ssettag $0x2  }
0x34: {  	s0 =	rddreg [dreg:$0x0];
	s2 =	stileid.u32  }
0x35: {  	s1 =	rddreg [dreg:$0x1];
	p0 =	sne.s32 s2, $0x0  }
0x36: {  	s3 =	rddreg [dreg:$0x2];
	[bflag:$0x3] =	sbarrier.arrive $0xFFFF;
	s2 =	simm.s32 @!p0 $0x1C01  }
0x37: {  	[timem:s3], [sflag:s2] =	dma.local @!p0 [hbm:s0], s1  }
0x38: {  	s0 =	simm.s32 @!p0 $0x1  }
0x39: {  	_ =	swait.ge @!p0 [sflag:s0], s1  }
0x3a: {  	s1 =	ssub.s32 @!p0 $0x0, s1;
	[sflag:s0] =	ssyncset.done @!p0 $0x0  }
0x3b: {  	[sflag:s0] =	ssyncadd.s32 @!p0 s1  }
0x3c: {  	[bflag:$0x3] =	sbarrier.arrive $0xFFFF  }
0x3d: {  	_ =	shalt  }

</sc_bundles>
